<compile_context>
chip_gen: v7x
topology: tpu7x:2x2x1
jax: 0.10.2.dev20260603
libtpu: 0.0.44.dev20260713+nightly
codegen_flags: <defaults>
</compile_context>

<pallas_src>
import functools

import jax
import jax.numpy as jnp
from jax import lax
from jax.experimental import pallas as pl
from jax.experimental.pallas import tpu as pltpu
from jax.experimental.pallas import tpu_sc as plsc

NC, NS = 2, 16
NW = NC * NS


def _gather_body(bpw, idx_hbm, table_hbm, out_hbm, idx_s, sem):
    wid = lax.axis_index("s") * NC + lax.axis_index("c")
    base = wid * bpw
    pltpu.sync_copy(idx_hbm.at[pl.ds(base, bpw)], idx_s)

    @pl.loop(0, bpw // 16)
    def _issue(i):
        vec = idx_s[pl.ds(i * 16, 16)]
        for j in range(16):
            pltpu.async_copy(
                table_hbm.at[pl.ds(vec[j], 1)],
                out_hbm.at[pl.ds(base + i * 16 + j, 1)],
                sem,
            )

    pltpu.make_async_copy(
        table_hbm.at[pl.ds(0, bpw)], out_hbm.at[pl.ds(base, bpw)], sem
    ).wait()


def _sc_gather(idx, table):
    batch = idx.shape[0]
    emb_dim = table.shape[1]
    bpw = batch // NW
    mesh = plsc.VectorSubcoreMesh(
        core_axis_name="c", subcore_axis_name="s", num_cores=NC, num_subcores=NS
    )
    grab = pl.kernel(
        functools.partial(_gather_body, bpw),
        out_type=jax.ShapeDtypeStruct((batch, emb_dim), jnp.float32),
        mesh=mesh,
        scratch_types=[
            pltpu.VMEM((bpw,), jnp.int32),
            pltpu.SemaphoreType.DMA,
        ],
    )
    return grab(idx, table)


def _mlp_body(emb_ref, w1_ref, b1_ref, w2_ref, b2_ref, out_ref):
    h = jnp.dot(emb_ref[...], w1_ref[...], preferred_element_type=jnp.float32)
    h = jnp.maximum(h + b1_ref[...], 0.0)
    out_ref[...] = (
        jnp.dot(h, w2_ref[...], preferred_element_type=jnp.float32) + b2_ref[...]
    )


def _tc_mlp(emb, W1, b1, W2, b2, block_b=2048):
    batch, emb_dim = emb.shape
    out_dim = W2.shape[1]
    grid = (batch // block_b,)
    return pl.pallas_call(
        _mlp_body,
        grid=grid,
        in_specs=[
            pl.BlockSpec((block_b, emb_dim), lambda i: (i, 0)),
            pl.BlockSpec((emb_dim, emb_dim), lambda i: (0, 0)),
            pl.BlockSpec((1, emb_dim), lambda i: (0, 0)),
            pl.BlockSpec((emb_dim, out_dim), lambda i: (0, 0)),
            pl.BlockSpec((1, out_dim), lambda i: (0, 0)),
        ],
        out_specs=pl.BlockSpec((block_b, out_dim), lambda i: (i, 0)),
        out_shape=jax.ShapeDtypeStruct((batch, out_dim), jnp.float32),
    )(emb, W1, b1.reshape(1, -1), W2, b2.reshape(1, -1))


def kernel(user_id, table, W1, b1, W2, b2):
    idx = user_id.astype(jnp.int32)
    emb = _sc_gather(idx, table)
    return _tc_mlp(emb, W1, b1, W2, b2)

# --- scband reference (transcript-rebuilt; emitter-appended) ---
"""Pipeline reference for scband-user-tower-24326694764844 (READ-ONLY COPY).

The authoritative reference and input builder live on the scoring server;
editing this copy changes nothing except your own understanding.
"""

import jax, jax.numpy as jnp
import numpy as np

N_USERS = 1000000
EMB_DIM = 64
OUT_DIM = 32
BATCH = 16384


def setup_inputs(seed: int = 0) -> dict:
    key = jax.random.key(seed)
    k1, k2, k3, k4 = jax.random.split(key, 4)
    user_id = jax.random.randint(k1, (BATCH,), 0, N_USERS + 1)
    table = jax.random.normal(k2, (N_USERS + 1, EMB_DIM), dtype=jnp.float32)
    # padding_idx=0 -> row 0 is zeros
    table = table.at[0].set(0.0)
    W1 = jax.random.normal(k3, (EMB_DIM, EMB_DIM), dtype=jnp.float32) * 0.05
    b1 = jnp.zeros((EMB_DIM,), dtype=jnp.float32)
    W2 = jax.random.normal(k4, (EMB_DIM, OUT_DIM), dtype=jnp.float32) * 0.05
    b2 = jnp.zeros((OUT_DIM,), dtype=jnp.float32)
    return {"user_id": user_id, "table": table, "W1": W1, "b1": b1, "W2": W2, "b2": b2}


def reference(user_id, table, W1, b1, W2, b2):
    # nn.Embedding lookup (SparseCore gather)
    emb = jnp.take(table, user_id, axis=0)
    # fc: Linear -> ReLU -> Linear
    h = jnp.maximum(emb @ W1 + b1, 0.0)
    out = h @ W2 + b2
    return out

if __name__ == "__main__":
    import jax
    _d = setup_inputs()
    print(jax.jit(kernel)(*tuple(_d.values())))

</pallas_src>

<mosaic_0001>
#map = affine_map<(d0, d1) -> (0)>
#map1 = affine_map<(d0, d1) -> (0, 0)>
module attributes {stable_mosaic.version = 14 : i64} {
  func.func @_gather_body(%arg0: i32, %arg1: i32, %arg2: memref<16384xi32, #tpu.memory_space<hbm>>, %arg3: memref<1000001x64xf32, #tpu.memory_space<hbm>>, %arg4: memref<16384x64xf32, #tpu.memory_space<hbm>>, %arg5: memref<512xi32, #tpu.memory_space<vmem>>, %arg6: memref<!tpu.dma_semaphore, #tpu.memory_space<semaphore_mem>>) attributes {dimension_semantics = [#tpu.dimension_semantics<core_parallel>, #tpu.dimension_semantics<subcore_parallel>], iteration_bounds = array<i64: 2, 16>, scalar_prefetch = 0 : i64, scratch_operands = 2 : i64, tpu.core_type = #tpu.core_type<sc_vector_subcore>, window_params = [{transform_indices = #map}, {transform_indices = #map1}, {transform_indices = #map1}]} {
    %mul3A = arith.constant 2 : i32
    %mul3A_0 = arith.muli %arg1, %mul3A : i32
    %add3A = arith.addi %mul3A_0, %arg0 : i32
    %mul3A_1 = arith.constant 512 : i32
    %mul3A_2 = arith.muli %add3A, %mul3A_1 : i32
    "tpu.region"() ({
      %run_scoped3A = tpu.sem_alloc : memref<!tpu.dma_semaphore, #tpu.memory_space<semaphore_mem>>
      %dma_start3A = tpu.memref_slice %arg2[%mul3A_2] : memref<16384xi32, #tpu.memory_space<hbm>> -> memref<512xi32, #tpu.memory_space<hbm>>
      %dma_start3A_11 = tpu.memref_slice %arg2[%mul3A_2] : memref<16384xi32, #tpu.memory_space<hbm>> -> memref<512xi32, #tpu.memory_space<hbm>>
      tpu.enqueue_dma source(%dma_start3A_11 : memref<512xi32, #tpu.memory_space<hbm>>) target(%arg5 : memref<512xi32, #tpu.memory_space<vmem>>) target_semaphore(%run_scoped3A : memref<!tpu.dma_semaphore, #tpu.memory_space<semaphore_mem>>)
      %dma_wait3A_12 = tpu.memref_slice %arg2[%mul3A_2] : memref<16384xi32, #tpu.memory_space<hbm>> -> memref<512xi32, #tpu.memory_space<hbm>>
      %dma_wait3A_13 = tpu.memref_slice %arg2[%mul3A_2] : memref<16384xi32, #tpu.memory_space<hbm>> -> memref<512xi32, #tpu.memory_space<hbm>>
      tpu.wait_dma2 semaphore(%run_scoped3A : memref<!tpu.dma_semaphore, #tpu.memory_space<semaphore_mem>>) src(%dma_wait3A_13 : memref<512xi32, #tpu.memory_space<hbm>>) dst(%arg5 : memref<512xi32, #tpu.memory_space<vmem>>)
      tpu.yield
    }) : () -> ()
    %scan3A = arith.constant 0 : i32
    %scan3A_3 = arith.constant 32 : i32
    %scan3A_4 = arith.addi %scan3A, %scan3A_3 : i32
    %scan3A_5 = arith.constant 1 : i32
    scf.for %scan3A_11 = %scan3A to %scan3A_4 step %scan3A_5  : i32 {
      %mul3A_12 = arith.constant 1 : i32
      %mul3A_13 = arith.muli %scan3A_11, %mul3A_12 : i32
      %add3A_14 = arith.constant 0 : i32
      %add3A_15 = arith.addi %add3A_14, %mul3A_13 : i32
      %mul3A_16 = arith.constant 16 : i32
      %mul3A_17 = arith.muli %add3A_15, %mul3A_16 : i32
      %get3A = arith.index_cast %mul3A_17 : i32 to index
      %get3A_18 = tpu.vector_load %arg5[%get3A] {strides = array<i32>} : memref<512xi32, #tpu.memory_space<vmem>>, vector<16xi32>,
      %get3A_19 = vector.shape_cast %get3A_18 : vector<16xi32> to vector<16xi32>
      %slice3A = vector.extract_strided_slice %get3A_19 {offsets = [0], sizes = [1], strides = [1]} : vector<16xi32> to vector<1xi32>
      %squeeze3A = vector.extract %slice3A[0] : i32 from vector<1xi32>
      %mul3A_20 = arith.constant 16 : i32
      %mul3A_21 = arith.muli %add3A_15, %mul3A_20 : i32
      %add3A_22 = arith.addi %mul3A_2, %mul3A_21 : i32
      %add3A_23 = arith.constant 0 : i32
      %add3A_24 = arith.addi %add3A_22, %add3A_23 : i32
      %dma_start3A = arith.constant 0 : i32
      %dma_start3A_25 = tpu.memref_slice %arg4[%add3A_24, %dma_start3A] : memref<16384x64xf32, #tpu.memory_space<hbm>> -> memref<1x64xf32, #tpu.memory_space<hbm>>
      %dma_start3A_26 = arith.constant 0 : i32
      %dma_start3A_27 = tpu.memref_slice %arg3[%squeeze3A, %dma_start3A_26] : memref<1000001x64xf32, #tpu.memory_space<hbm>> -> memref<1x64xf32, #tpu.memory_space<hbm>>
      tpu.enqueue_dma source(%dma_start3A_27 : memref<1x64xf32, #tpu.memory_space<hbm>>) target(%dma_start3A_25 : memref<1x64xf32, #tpu.memory_space<hbm>>) target_semaphore(%arg6 : memref<!tpu.dma_semaphore, #tpu.memory_space<semaphore_mem>>)
      %slice3A_28 = vector.extract_strided_slice %get3A_19 {offsets = [1], sizes = [1], strides = [1]} : vector<16xi32> to vector<1xi32>
      %squeeze3A_29 = vector.extract %slice3A_28[0] : i32 from vector<1xi32>
      %mul3A_30 = arith.constant 16 : i32
      %mul3A_31 = arith.muli %add3A_15, %mul3A_30 : i32
      %add3A_32 = arith.addi %mul3A_2, %mul3A_31 : i32
      %add3A_33 = arith.constant 1 : i32
      %add3A_34 = arith.addi %add3A_32, %add3A_33 : i32
      %dma_start3A_35 = arith.constant 0 : i32
      %dma_start3A_36 = tpu.memref_slice %arg4[%add3A_34, %dma_start3A_35] : memref<16384x64xf32, #tpu.memory_space<hbm>> -> memref<1x64xf32, #tpu.memory_space<hbm>>
      %dma_start3A_37 = arith.constant 0 : i32
      %dma_start3A_38 = tpu.memref_slice %arg3[%squeeze3A_29, %dma_start3A_37] : memref<1000001x64xf32, #tpu.memory_space<hbm>> -> memref<1x64xf32, #tpu.memory_space<hbm>>
      tpu.enqueue_dma source(%dma_start3A_38 : memref<1x64xf32, #tpu.memory_space<hbm>>) target(%dma_start3A_36 : memref<1x64xf32, #tpu.memory_space<hbm>>) target_semaphore(%arg6 : memref<!tpu.dma_semaphore, #tpu.memory_space<semaphore_mem>>)
      %slice3A_39 = vector.extract_strided_slice %get3A_19 {offsets = [2], sizes = [1], strides = [1]} : vector<16xi32> to vector<1xi32>
      %squeeze3A_40 = vector.extract %slice3A_39[0] : i32 from vector<1xi32>
      %mul3A_41 = arith.constant 16 : i32
      %mul3A_42 = arith.muli %add3A_15, %mul3A_41 : i32
      %add3A_43 = arith.addi %mul3A_2, %mul3A_42 : i32
      %add3A_44 = arith.constant 2 : i32
      %add3A_45 = arith.addi %add3A_43, %add3A_44 : i32
      %dma_start3A_46 = arith.constant 0 : i32
      %dma_start3A_47 = tpu.memref_slice %arg4[%add3A_45, %dma_start3A_46] : memref<16384x64xf32, #tpu.memory_space<hbm>> -> memref<1x64xf32, #tpu.memory_space<hbm>>
      %dma_start3A_48 = arith.constant 0 : i32
      %dma_start3A_49 = tpu.memref_slice %arg3[%squeeze3A_40, %dma_start3A_48] : memref<1000001x64xf32, #tpu.memory_space<hbm>> -> memref<1x64xf32, #tpu.memory_space<hbm>>
      tpu.enqueue_dma source(%dma_start3A_49 : memref<1x64xf32, #tpu.memory_space<hbm>>) target(%dma_start3A_47 : memref<1x64xf32, #tpu.memory_space<hbm>>) target_semaphore(%arg6 : memref<!tpu.dma_semaphore, #tpu.memory_space<semaphore_mem>>)
      %slice3A_50 = vector.extract_strided_slice %get3A_19 {offsets = [3], sizes = [1], strides = [1]} : vector<16xi32> to vector<1xi32>
      %squeeze3A_51 = vector.extract %slice3A_50[0] : i32 from vector<1xi32>
      %mul3A_52 = arith.constant 16 : i32
      %mul3A_53 = arith.muli %add3A_15, %mul3A_52 : i32
      %add3A_54 = arith.addi %mul3A_2, %mul3A_53 : i32
      %add3A_55 = arith.constant 3 : i32
      %add3A_56 = arith.addi %add3A_54, %add3A_55 : i32
      %dma_start3A_57 = arith.constant 0 : i32
      %dma_start3A_58 = tpu.memref_slice %arg4[%add3A_56, %dma_start3A_57] : memref<16384x64xf32, #tpu.memory_space<hbm>> -> memref<1x64xf32, #tpu.memory_space<hbm>>
      %dma_start3A_59 = arith.constant 0 : i32
      %dma_start3A_60 = tpu.memref_slice %arg3[%squeeze3A_51, %dma_start3A_59] : memref<1000001x64xf32, #tpu.memory_space<hbm>> -> memref<1x64xf32, #tpu.memory_space<hbm>>
      tpu.enqueue_dma source(%dma_start3A_60 : memref<1x64xf32, #tpu.memory_space<hbm>>) target(%dma_start3A_58 : memref<1x64xf32, #tpu.memory_space<hbm>>) target_semaphore(%arg6 : memref<!tpu.dma_semaphore, #tpu.memory_space<semaphore_mem>>)
      %slice3A_61 = vector.extract_strided_slice %get3A_19 {offsets = [4], sizes = [1], strides = [1]} : vector<16xi32> to vector<1xi32>
      %squeeze3A_62 = vector.extract %slice3A_61[0] : i32 from vector<1xi32>
      %mul3A_63 = arith.constant 16 : i32
      %mul3A_64 = arith.muli %add3A_15, %mul3A_63 : i32
      %add3A_65 = arith.addi %mul3A_2, %mul3A_64 : i32
      %add3A_66 = arith.constant 4 : i32
      %add3A_67 = arith.addi %add3A_65, %add3A_66 : i32
      %dma_start3A_68 = arith.constant 0 : i32
      %dma_start3A_69 = tpu.memref_slice %arg4[%add3A_67, %dma_start3A_68] : memref<16384x64xf32, #tpu.memory_space<hbm>> -> memref<1x64xf32, #tpu.memory_space<hbm>>
      %dma_start3A_70 = arith.constant 0 : i32
      %dma_start3A_71 = tpu.memref_slice %arg3[%squeeze3A_62, %dma_start3A_70] : memref<1000001x64xf32, #tpu.memory_space<hbm>> -> memref<1x64xf32, #tpu.memory_space<hbm>>
      tpu.enqueue_dma source(%dma_start3A_71 : memref<1x64xf32, #tpu.memory_space<hbm>>) target(%dma_start3A_69 : memref<1x64xf32, #tpu.memory_space<hbm>>) target_semaphore(%arg6 : memref<!tpu.dma_semaphore, #tpu.memory_space<semaphore_mem>>)
      %slice3A_72 = vector.extract_strided_slice %get3A_19 {offsets = [5], sizes = [1], strides = [1]} : vector<16xi32> to vector<1xi32>
      %squeeze3A_73 = vector.extract %slice3A_72[0] : i32 from vector<1xi32>
      %mul3A_74 = arith.constant 16 : i32
      %mul3A_75 = arith.muli %add3A_15, %mul3A_74 : i32
      %add3A_76 = arith.addi %mul3A_2, %mul3A_75 : i32
      %add3A_77 = arith.constant 5 : i32
      %add3A_78 = arith.addi %add3A_76, %add3A_77 : i32
      %dma_start3A_79 = arith.constant 0 : i32
      %dma_start3A_80 = tpu.memref_slice %arg4[%add3A_78, %dma_start3A_79] : memref<16384x64xf32, #tpu.memory_space<hbm>> -> memref<1x64xf32, #tpu.memory_space<hbm>>
      %dma_start3A_81 = arith.constant 0 : i32
      %dma_start3A_82 = tpu.memref_slice %arg3[%squeeze3A_73, %dma_start3A_81] : memref<1000001x64xf32, #tpu.memory_space<hbm>> -> memref<1x64xf32, #tpu.memory_space<hbm>>
      tpu.enqueue_dma source(%dma_start3A_82 : memref<1x64xf32, #tpu.memory_space<hbm>>) target(%dma_start3A_80 : memref<1x64xf32, #tpu.memory_space<hbm>>) target_semaphore(%arg6 : memref<!tpu.dma_semaphore, #tpu.memory_space<semaphore_mem>>)
      %slice3A_83 = vector.extract_strided_slice %get3A_19 {offsets = [6], sizes = [1], strides = [1]} : vector<16xi32> to vector<1xi32>
      %squeeze3A_84 = vector.extract %slice3A_83[0] : i32 from vector<1xi32>
      %mul3A_85 = arith.constant 16 : i32
      %mul3A_86 = arith.muli %add3A_15, %mul3A_85 : i32
      %add3A_87 = arith.addi %mul3A_2, %mul3A_86 : i32
      %add3A_88 = arith.constant 6 : i32
      %add3A_89 = arith.addi %add3A_87, %add3A_88 : i32
      %dma_start3A_90 = arith.constant 0 : i32
      %dma_start3A_91 = tpu.memref_slice %arg4[%add3A_89, %dma_start3A_90] : memref<16384x64xf32, #tpu.memory_space<hbm>> -> memref<1x64xf32, #tpu.memory_space<hbm>>
      %dma_start3A_92 = arith.constant 0 : i32
      %dma_start3A_93 = tpu.memref_slice %arg3[%squeeze3A_84, %dma_start3A_92] : memref<1000001x64xf32, #tpu.memory_space<hbm>> -> memref<1x64xf32, #tpu.memory_space<hbm>>
      tpu.enqueue_dma source(%dma_start3A_93 : memref<1x64xf32, #tpu.memory_space<hbm>>) target(%dma_start3A_91 : memref<1x64xf32, #tpu.memory_space<hbm>>) target_semaphore(%arg6 : memref<!tpu.dma_semaphore, #tpu.memory_space<semaphore_mem>>)
      %slice3A_94 = vector.extract_strided_slice %get3A_19 {offsets = [7], sizes = [1], strides = [1]} : vector<16xi32> to vector<1xi32>
      %squeeze3A_95 = vector.extract %slice3A_94[0] : i32 from vector<1xi32>
      %mul3A_96 = arith.constant 16 : i32
      %mul3A_97 = arith.muli %add3A_15, %mul3A_96 : i32
      %add3A_98 = arith.addi %mul3A_2, %mul3A_97 : i32
      %add3A_99 = arith.constant 7 : i32
      %add3A_100 = arith.addi %add3A_98, %add3A_99 : i32
      %dma_start3A_101 = arith.constant 0 : i32
      %dma_start3A_102 = tpu.memref_slice %arg4[%add3A_100, %dma_start3A_101] : memref<16384x64xf32, #tpu.memory_space<hbm>> -> memref<1x64xf32, #tpu.memory_space<hbm>>
      %dma_start3A_103 = arith.constant 0 : i32
      %dma_start3A_104 = tpu.memref_slice %arg3[%squeeze3A_95, %dma_start3A_103] : memref<1000001x64xf32, #tpu.memory_space<hbm>> -> memref<1x64xf32, #tpu.memory_space<hbm>>
      tpu.enqueue_dma source(%dma_start3A_104 : memref<1x64xf32, #tpu.memory_space<hbm>>) target(%dma_start3A_102 : memref<1x64xf32, #tpu.memory_space<hbm>>) target_semaphore(%arg6 : memref<!tpu.dma_semaphore, #tpu.memory_space<semaphore_mem>>)
      %slice3A_105 = vector.extract_strided_slice %get3A_19 {offsets = [8], sizes = [1], strides = [1]} : vector<16xi32> to vector<1xi32>
      %squeeze3A_106 = vector.extract %slice3A_105[0] : i32 from vector<1xi32>
      %mul3A_107 = arith.constant 16 : i32
      %mul3A_108 = arith.muli %add3A_15, %mul3A_107 : i32
      %add3A_109 = arith.addi %mul3A_2, %mul3A_108 : i32
      %add3A_110 = arith.constant 8 : i32
      %add3A_111 = arith.addi %add3A_109, %add3A_110 : i32
      %dma_start3A_112 = arith.constant 0 : i32
      %dma_start3A_113 = tpu.memref_slice %arg4[%add3A_111, %dma_start3A_112] : memref<16384x64xf32, #tpu.memory_space<hbm>> -> memref<1x64xf32, #tpu.memory_space<hbm>>
      %dma_start3A_114 = arith.constant 0 : i32
      %dma_start3A_115 = tpu.memref_slice %arg3[%squeeze3A_106, %dma_start3A_114] : memref<1000001x64xf32, #tpu.memory_space<hbm>> -> memref<1x64xf32, #tpu.memory_space<hbm>>
      tpu.enqueue_dma source(%dma_start3A_115 : memref<1x64xf32, #tpu.memory_space<hbm>>) target(%dma_start3A_113 : memref<1x64xf32, #tpu.memory_space<hbm>>) target_semaphore(%arg6 : memref<!tpu.dma_semaphore, #tpu.memory_space<semaphore_mem>>)
      %slice3A_116 = vector.extract_strided_slice %get3A_19 {offsets = [9], sizes = [1], strides = [1]} : vector<16xi32> to vector<1xi32>
      %squeeze3A_117 = vector.extract %slice3A_116[0] : i32 from vector<1xi32>
      %mul3A_118 = arith.constant 16 : i32
      %mul3A_119 = arith.muli %add3A_15, %mul3A_118 : i32
      %add3A_120 = arith.addi %mul3A_2, %mul3A_119 : i32
      %add3A_121 = arith.constant 9 : i32
      %add3A_122 = arith.addi %add3A_120, %add3A_121 : i32
      %dma_start3A_123 = arith.constant 0 : i32
      %dma_start3A_124 = tpu.memref_slice %arg4[%add3A_122, %dma_start3A_123] : memref<16384x64xf32, #tpu.memory_space<hbm>> -> memref<1x64xf32, #tpu.memory_space<hbm>>
      %dma_start3A_125 = arith.constant 0 : i32
      %dma_start3A_126 = tpu.memref_slice %arg3[%squeeze3A_117, %dma_start3A_125] : memref<1000001x64xf32, #tpu.memory_space<hbm>> -> memref<1x64xf32, #tpu.memory_space<hbm>>
      tpu.enqueue_dma source(%dma_start3A_126 : memref<1x64xf32, #tpu.memory_space<hbm>>) target(%dma_start3A_124 : memref<1x64xf32, #tpu.memory_space<hbm>>) target_semaphore(%arg6 : memref<!tpu.dma_semaphore, #tpu.memory_space<semaphore_mem>>)
      %slice3A_127 = vector.extract_strided_slice %get3A_19 {offsets = [10], sizes = [1], strides = [1]} : vector<16xi32> to vector<1xi32>
      %squeeze3A_128 = vector.extract %slice3A_127[0] : i32 from vector<1xi32>
      %mul3A_129 = arith.constant 16 : i32
      %mul3A_130 = arith.muli %add3A_15, %mul3A_129 : i32
      %add3A_131 = arith.addi %mul3A_2, %mul3A_130 : i32
      %add3A_132 = arith.constant 10 : i32
      %add3A_133 = arith.addi %add3A_131, %add3A_132 : i32
      %dma_start3A_134 = arith.constant 0 : i32
      %dma_start3A_135 = tpu.memref_slice %arg4[%add3A_133, %dma_start3A_134] : memref<16384x64xf32, #tpu.memory_space<hbm>> -> memref<1x64xf32, #tpu.memory_space<hbm>>
      %dma_start3A_136 = arith.constant 0 : i32
      %dma_start3A_137 = tpu.memref_slice %arg3[%squeeze3A_128, %dma_start3A_136] : memref<1000001x64xf32, #tpu.memory_space<hbm>> -> memref<1x64xf32, #tpu.memory_space<hbm>>
      tpu.enqueue_dma source(%dma_start3A_137 : memref<1x64xf32, #tpu.memory_space<hbm>>) target(%dma_start3A_135 : memref<1x64xf32, #tpu.memory_space<hbm>>) target_semaphore(%arg6 : memref<!tpu.dma_semaphore, #tpu.memory_space<semaphore_mem>>)
      %slice3A_138 = vector.extract_strided_slice %get3A_19 {offsets = [11], sizes = [1], strides = [1]} : vector<16xi32> to vector<1xi32>
      %squeeze3A_139 = vector.extract %slice3A_138[0] : i32 from vector<1xi32>
      %mul3A_140 = arith.constant 16 : i32
      %mul3A_141 = arith.muli %add3A_15, %mul3A_140 : i32
      %add3A_142 = arith.addi %mul3A_2, %mul3A_141 : i32
      %add3A_143 = arith.constant 11 : i32
      %add3A_144 = arith.addi %add3A_142, %add3A_143 : i32
      %dma_start3A_145 = arith.constant 0 : i32
      %dma_start3A_146 = tpu.memref_slice %arg4[%add3A_144, %dma_start3A_145] : memref<16384x64xf32, #tpu.memory_space<hbm>> -> memref<1x64xf32, #tpu.memory_space<hbm>>
      %dma_start3A_147 = arith.constant 0 : i32
      %dma_start3A_148 = tpu.memref_slice %arg3[%squeeze3A_139, %dma_start3A_147] : memref<1000001x64xf32, #tpu.memory_space<hbm>> -> memref<1x64xf32, #tpu.memory_space<hbm>>
      tpu.enqueue_dma source(%dma_start3A_148 : memref<1x64xf32, #tpu.memory_space<hbm>>) target(%dma_start3A_146 : memref<1x64xf32, #tpu.memory_space<hbm>>) target_semaphore(%arg6 : memref<!tpu.dma_semaphore, #tpu.memory_space<semaphore_mem>>)
      %slice3A_149 = vector.extract_strided_slice %get3A_19 {offsets = [12], sizes = [1], strides = [1]} : vector<16xi32> to vector<1xi32>
      %squeeze3A_150 = vector.extract %slice3A_149[0] : i32 from vector<1xi32>
      %mul3A_151 = arith.constant 16 : i32
      %mul3A_152 = arith.muli %add3A_15, %mul3A_151 : i32
      %add3A_153 = arith.addi %mul3A_2, %mul3A_152 : i32
      %add3A_154 = arith.constant 12 : i32
      %add3A_155 = arith.addi %add3A_153, %add3A_154 : i32
      %dma_start3A_156 = arith.constant 0 : i32
      %dma_start3A_157 = tpu.memref_slice %arg4[%add3A_155, %dma_start3A_156] : memref<16384x64xf32, #tpu.memory_space<hbm>> -> memref<1x64xf32, #tpu.memory_space<hbm>>
      %dma_start3A_158 = arith.constant 0 : i32
      %dma_start3A_159 = tpu.memref_slice %arg3[%squeeze3A_150, %dma_start3A_158] : memref<1000001x64xf32, #tpu.memory_space<hbm>> -> memref<1x64xf32, #tpu.memory_space<hbm>>
      tpu.enqueue_dma source(%dma_start3A_159 : memref<1x64xf32, #tpu.memory_space<hbm>>) target(%dma_start3A_157 : memref<1x64xf32, #tpu.memory_space<hbm>>) target_semaphore(%arg6 : memref<!tpu.dma_semaphore, #tpu.memory_space<semaphore_mem>>)
      %slice3A_160 = vector.extract_strided_slice %get3A_19 {offsets = [13], sizes = [1], strides = [1]} : vector<16xi32> to vector<1xi32>
      %squeeze3A_161 = vector.extract %slice3A_160[0] : i32 from vector<1xi32>
      %mul3A_162 = arith.constant 16 : i32
      %mul3A_163 = arith.muli %add3A_15, %mul3A_162 : i32
      %add3A_164 = arith.addi %mul3A_2, %mul3A_163 : i32
      %add3A_165 = arith.constant 13 : i32
      %add3A_166 = arith.addi %add3A_164, %add3A_165 : i32
      %dma_start3A_167 = arith.constant 0 : i32
      %dma_start3A_168 = tpu.memref_slice %arg4[%add3A_166, %dma_start3A_167] : memref<16384x64xf32, #tpu.memory_space<hbm>> -> memref<1x64xf32, #tpu.memory_space<hbm>>
      %dma_start3A_169 = arith.constant 0 : i32
      %dma_start3A_170 = tpu.memref_slice %arg3[%squeeze3A_161, %dma_start3A_169] : memref<1000001x64xf32, #tpu.memory_space<hbm>> -> memref<1x64xf32, #tpu.memory_space<hbm>>
      tpu.enqueue_dma source(%dma_start3A_170 : memref<1x64xf32, #tpu.memory_space<hbm>>) target(%dma_start3A_168 : memref<1x64xf32, #tpu.memory_space<hbm>>) target_semaphore(%arg6 : memref<!tpu.dma_semaphore, #tpu.memory_space<semaphore_mem>>)
      %slice3A_171 = vector.extract_strided_slice %get3A_19 {offsets = [14], sizes = [1], strides = [1]} : vector<16xi32> to vector<1xi32>
      %squeeze3A_172 = vector.extract %slice3A_171[0] : i32 from vector<1xi32>
      %mul3A_173 = arith.constant 16 : i32
      %mul3A_174 = arith.muli %add3A_15, %mul3A_173 : i32
      %add3A_175 = arith.addi %mul3A_2, %mul3A_174 : i32
      %add3A_176 = arith.constant 14 : i32
      %add3A_177 = arith.addi %add3A_175, %add3A_176 : i32
      %dma_start3A_178 = arith.constant 0 : i32
      %dma_start3A_179 = tpu.memref_slice %arg4[%add3A_177, %dma_start3A_178] : memref<16384x64xf32, #tpu.memory_space<hbm>> -> memref<1x64xf32, #tpu.memory_space<hbm>>
      %dma_start3A_180 = arith.constant 0 : i32
      %dma_start3A_181 = tpu.memref_slice %arg3[%squeeze3A_172, %dma_start3A_180] : memref<1000001x64xf32, #tpu.memory_space<hbm>> -> memref<1x64xf32, #tpu.memory_space<hbm>>
      tpu.enqueue_dma source(%dma_start3A_181 : memref<1x64xf32, #tpu.memory_space<hbm>>) target(%dma_start3A_179 : memref<1x64xf32, #tpu.memory_space<hbm>>) target_semaphore(%arg6 : memref<!tpu.dma_semaphore, #tpu.memory_space<semaphore_mem>>)
      %slice3A_182 = vector.extract_strided_slice %get3A_19 {offsets = [15], sizes = [1], strides = [1]} : vector<16xi32> to vector<1xi32>
      %squeeze3A_183 = vector.extract %slice3A_182[0] : i32 from vector<1xi32>
      %mul3A_184 = arith.constant 16 : i32
      %mul3A_185 = arith.muli %add3A_15, %mul3A_184 : i32
      %add3A_186 = arith.addi %mul3A_2, %mul3A_185 : i32
      %add3A_187 = arith.constant 15 : i32
      %add3A_188 = arith.addi %add3A_186, %add3A_187 : i32
      %dma_start3A_189 = arith.constant 0 : i32
      %dma_start3A_190 = tpu.memref_slice %arg4[%add3A_188, %dma_start3A_189] : memref<16384x64xf32, #tpu.memory_space<hbm>> -> memref<1x64xf32, #tpu.memory_space<hbm>>
      %dma_start3A_191 = arith.constant 0 : i32
      %dma_start3A_192 = tpu.memref_slice %arg3[%squeeze3A_183, %dma_start3A_191] : memref<1000001x64xf32, #tpu.memory_space<hbm>> -> memref<1x64xf32, #tpu.memory_space<hbm>>
      tpu.enqueue_dma source(%dma_start3A_192 : memref<1x64xf32, #tpu.memory_space<hbm>>) target(%dma_start3A_190 : memref<1x64xf32, #tpu.memory_space<hbm>>) target_semaphore(%arg6 : memref<!tpu.dma_semaphore, #tpu.memory_space<semaphore_mem>>)
    }
    %scan3A_6 = arith.constant 32 : i32
    %dma_wait3A = arith.constant 0 : i32
    %dma_wait3A_7 = tpu.memref_slice %arg4[%mul3A_2, %dma_wait3A] : memref<16384x64xf32, #tpu.memory_space<hbm>> -> memref<512x64xf32, #tpu.memory_space<hbm>>
    %dma_wait3A_8 = arith.constant 0 : i32
    %dma_wait3A_9 = arith.constant 0 : i32
    %dma_wait3A_10 = tpu.memref_slice %arg3[%dma_wait3A_8, %dma_wait3A_9] : memref<1000001x64xf32, #tpu.memory_space<hbm>> -> memref<512x64xf32, #tpu.memory_space<hbm>>
    tpu.wait_dma2 semaphore(%arg6 : memref<!tpu.dma_semaphore, #tpu.memory_space<semaphore_mem>>) src(%dma_wait3A_10 : memref<512x64xf32, #tpu.memory_space<hbm>>) dst(%dma_wait3A_7 : memref<512x64xf32, #tpu.memory_space<hbm>>)
    return
  }
}

module attributes {stable_mosaic.version = 14 : i64} {
  func.func @_mlp_body(%arg0: i32, %arg1: memref<2048x64xf32, #tpu.memory_space<vmem>>, %arg2: memref<64x64xf32, #tpu.memory_space<vmem>>, %arg3: memref<1x64xf32, #tpu.memory_space<vmem>>, %arg4: memref<64x32xf32, #tpu.memory_space<vmem>>, %arg5: memref<1x32xf32, #tpu.memory_space<vmem>>, %arg6: memref<2048x32xf32, #tpu.memory_space<vmem>>) attributes {dimension_semantics = [#tpu.dimension_semantics<arbitrary>], iteration_bounds = array<i64: 8>, scalar_prefetch = 0 : i64, scratch_operands = 0 : i64, tpu.core_type = #tpu.core_type<tc>, window_params = [{transform_indices = @transform_0, window_bounds = array<i64: 2048, 64>}, {pipeline_mode = #tpu.pipeline_mode<synchronous>, transform_indices = @transform_1, window_bounds = array<i64: 64, 64>}, {pipeline_mode = #tpu.pipeline_mode<synchronous>, transform_indices = @transform_2, window_bounds = array<i64: 1, 64>}, {pipeline_mode = #tpu.pipeline_mode<synchronous>, transform_indices = @transform_3, window_bounds = array<i64: 64, 32>}, {pipeline_mode = #tpu.pipeline_mode<synchronous>, transform_indices = @transform_4, window_bounds = array<i64: 1, 32>}, {transform_indices = @transform_5, window_bounds = array<i64: 2048, 32>}]} {
    %get3A = arith.constant 0 : index
    %get3A_0 = arith.constant 0 : index
    %get3A_1 = vector.load %arg1[%get3A, %get3A_0] : memref<2048x64xf32, #tpu.memory_space<vmem>>, vector<2048x64xf32>
    %get3A_2 = arith.constant 0 : index
    %get3A_3 = arith.constant 0 : index
    %get3A_4 = vector.load %arg2[%get3A_2, %get3A_3] : memref<64x64xf32, #tpu.memory_space<vmem>>, vector<64x64xf32>
    %dot_general3A = arith.constant dense<0.000000e+00> : vector<2048x64xf32>
    %dot_general3A_5 = tpu.matmul %get3A_1, %get3A_4, %dot_general3A {dimension_numbers = #tpu.dot_dimension_numbers<[1], [0], [0], [1], [0, 0, 1, 1], [], []>, transpose_lhs_hint = false} : vector<2048x64xf32>, vector<64x64xf32>, vector<2048x64xf32> -> vector<2048x64xf32>
    %get3A_6 = arith.constant 0 : index
    %get3A_7 = arith.constant 0 : index
    %get3A_8 = vector.load %arg3[%get3A_6, %get3A_7] : memref<1x64xf32, #tpu.memory_space<vmem>>, vector<1x64xf32>
    %add3A = vector.broadcast %get3A_8 : vector<1x64xf32> to vector<2048x64xf32>
    %add3A_9 = arith.addf %dot_general3A_5, %add3A : vector<2048x64xf32>
    %max3A = arith.constant 0.000000e+00 : f32
    %max3A_10 = vector.broadcast %max3A : f32 to vector<2048x64xf32>
    %max3A_11 = arith.maximumf %add3A_9, %max3A_10 : vector<2048x64xf32>
    %get3A_12 = arith.constant 0 : index
    %get3A_13 = arith.constant 0 : index
    %get3A_14 = vector.load %arg4[%get3A_12, %get3A_13] : memref<64x32xf32, #tpu.memory_space<vmem>>, vector<64x32xf32>
    %dot_general3A_15 = arith.constant dense<0.000000e+00> : vector<2048x32xf32>
    %dot_general3A_16 = tpu.matmul %max3A_11, %get3A_14, %dot_general3A_15 {dimension_numbers = #tpu.dot_dimension_numbers<[1], [0], [0], [1], [0, 0, 1, 1], [], []>, transpose_lhs_hint = false} : vector<2048x64xf32>, vector<64x32xf32>, vector<2048x32xf32> -> vector<2048x32xf32>
    %get3A_17 = arith.constant 0 : index
    %get3A_18 = arith.constant 0 : index
    %get3A_19 = vector.load %arg5[%get3A_17, %get3A_18] : memref<1x32xf32, #tpu.memory_space<vmem>>, vector<1x32xf32>
    %add3A_20 = vector.broadcast %get3A_19 : vector<1x32xf32> to vector<2048x32xf32>
    %add3A_21 = arith.addf %dot_general3A_16, %add3A_20 : vector<2048x32xf32>
    %swap3A = arith.constant 0 : index
    %swap3A_22 = arith.constant 0 : index
    %swap3A_23 = vector.load %arg6[%swap3A, %swap3A_22] : memref<2048x32xf32, #tpu.memory_space<vmem>>, vector<2048x32xf32>
    tpu.vector_store %arg6[%swap3A, %swap3A_22], %add3A_21 {strides = array<i32>} : memref<2048x32xf32, #tpu.memory_space<vmem>>, vector<2048x32xf32>,
    return
  }
  func.func @transform_0(%arg0: i32) -> (i32, i32) {
    %c0_i32 = arith.constant 0 : i32
    %c0_i32_0 = arith.constant 0 : i32
    return %arg0, %c0_i32 : i32, i32
  }
  func.func @transform_1(%arg0: i32) -> (i32, i32) {
    %c0_i32 = arith.constant 0 : i32
    %c0_i32_0 = arith.constant 0 : i32
    %c0_i32_1 = arith.constant 0 : i32
    return %c0_i32, %c0_i32_0 : i32, i32
  }
  func.func @transform_2(%arg0: i32) -> (i32, i32) {
    %c0_i32 = arith.constant 0 : i32
    %c0_i32_0 = arith.constant 0 : i32
    %c0_i32_1 = arith.constant 0 : i32
    return %c0_i32, %c0_i32_0 : i32, i32
  }
  func.func @transform_3(%arg0: i32) -> (i32, i32) {
    %c0_i32 = arith.constant 0 : i32
    %c0_i32_0 = arith.constant 0 : i32
    %c0_i32_1 = arith.constant 0 : i32
    return %c0_i32, %c0_i32_0 : i32, i32
  }
  func.func @transform_4(%arg0: i32) -> (i32, i32) {
    %c0_i32 = arith.constant 0 : i32
    %c0_i32_0 = arith.constant 0 : i32
    %c0_i32_1 = arith.constant 0 : i32
    return %c0_i32, %c0_i32_0 : i32, i32
  }
  func.func @transform_5(%arg0: i32) -> (i32, i32) {
    %c0_i32 = arith.constant 0 : i32
    %c0_i32_0 = arith.constant 0 : i32
    return %arg0, %c0_i32 : i32, i32
  }
}

</mosaic_0001>

<sc_bundles>
// kernel: kernel.4.cloned.1.call-start
scs
__scs_entry_jumppad:
0x0: {  	(pc) =	sbr.rel $0x88, $3  }
0x1: {  	(tag) =	ssettag $0x0;
	lr =	simm.s32 $0x1  }
0x2: {  	[smem:$0x3F9B] =	sst lr;
	_ =	strace $0xD0000000  }
0x3: {  	_ = 	snop  }
0x4: {  	_ = 	snop  }
0x5: {  	_ = 	snop  }
0x6: {  	_ = 	snop  }
0x7: {  	_ = 	snop  }
__scs_overlays_trampoline_lowered:
0x8: {  	[smem:$0x3FAA] =	sst s0  }
0x9: {  	[smem:$0x3FAB] =	sst s1  }
0xa: {  	[smem:$0x3FAC] =	sst s2  }
0xb: {  	[smem:$0x3FAD] =	sst s3  }
0xc: {  	[smem:$0x3FAE] =	sst s4  }
0xd: {  	[smem:$0x3FAF] =	sst s5  }
0xe: {  	[smem:$0x3FB0] =	sst s6  }
0xf: {  	[smem:$0x3FB1] =	sst s7  }
0x10: {  	[smem:$0x3FB2] =	sst s8  }
0x11: {  	[smem:$0x3FB3] =	sst s9;
	s0 =	simm.s32 @!p0 $0x0  }
0x12: {  	s1 =	sld [smem:$0x3F99];
	s0 =	simm.s32 @p0 $0x1  }
0x13: {  	[smem:$0x3FB4] =	sst s0;
	s0 =	simm.s32 @!p1 $0x0  }
0x14: {  	s2 =	sld [smem:$0x3F98];
	s0 =	simm.s32 @p1 $0x1  }
0x15: {  	[smem:$0x3FB5] =	sst s0;
	s0 =	simm.s32 @!p2 $0x0  }
0x16: {  	s3 =	sld [smem:$0x3FDB];
	s0 =	simm.s32 @p2 $0x1  }
0x17: {  	s4 =	simm.s32 $0x1BF5;
	[smem:$0x3FB7] =	sst s0  }
0x18: {  	s0 =	sld [smem:$0x3F9A];
	_ =	swait.ge [sflag:s4], $0x0  }
0x19: {  	s7 =	sld [smem:$0x3F9B]  }
0x1a: {  	s8 =	sadd.s32 $0xFFFFE003, lr  }
0x1b: {  	s9 =	sadd.s32 $0xFFFFFEF7, lr;
	s5 =	simm.s32 $0xFFFFFFFF;
	p2 =	slt.u32 s8, $0xFFFFF086  }
0x1c: {  	p1 =	slt.u32 s9, $0xF7A;
	s5 =	simm.s32 @!p2 $0x0  }
0x1d: {  	s5 =	simm.s32 @p1 $0x1;
	p0 =	seq.s32 s7, s2  }
0x1e: {  	s7 =	smul.u32 @!p0 $0xF7A, s2;
	p2 =	seq.s32 @!p0 s5, $0x0  }
0x1f: {  	s9 =	smul.u32 $0xF7A, s1;
	s8 =	simm.s32 @!p0 $0x1BF5;
	p2 =	por !p2, p0  }
0x20: {  	[sflag:s8] =	ssyncset.s32 @!p0 $0xFFFFF086;
	s6 =	sadd.s32 @!p0 s3, s7;
	s7 =	simm.s32 @!p0 $0x108  }
0x21: {  	s3 =	sadd.s32 s3, s9;
	s6 =	sadd.s32 @!p0 $0x88, s6;
	s7 =	simm.s32 @p2 $0x1082  }
0x22: {  	[simem:s7], [sflag:s8] =	dma.local @!p0 [hbm:s6], $0xF7A  }
0x23: {  	s9 =	sor.u32 $0xD0000000, s2;
	s6 =	simm.s32 $0x108;
	_ =	swait.ge @!p0 [sflag:s8], $0x0  }
0x24: {  	s3 =	sadd.s32 $0x88, s3;
	s6 =	simm.s32 @!p1 $0x1082;
	[sflag:s4] =	ssyncset.s32 $0xFFFFF086  }
0x25: {  	[simem:s6], [sflag:s4] =	dma.local [hbm:s3], $0xF7A  }
0x26: {  	[smem:$0x3F9B] =	sst s1;
	(tag) =	ssettag s2;
	_ =	strace s9  }
0x27: {  	s1 =	sld [smem:$0x3FAB]  }
0x28: {  	s2 =	sld [smem:$0x3FAC]  }
0x29: {  	s4 =	sld [smem:$0x3FAE]  }
0x2a: {  	p0 =	seq.s32 s5, $0x0;
	s5 =	sld [smem:$0x3FAF]  }
0x2b: {  	s6 =	sld [smem:$0x3FB0]  }
0x2c: {  	s7 =	sld [smem:$0x3FB1]  }
0x2d: {  	s3 =	simm.s32 $0x108;
	s8 =	sld [smem:$0x3FB2]  }
0x2e: {  	s3 =	simm.s32 @!p0 $0x1082;
	s9 =	sld [smem:$0x3FB3]  }
0x2f: {  	lr =	sadd.s32 s0, s3;
	s0 =	sld [smem:$0x3FAA]  }
0x30: {  	s3 =	sld [smem:$0x3FAD]  }
0x31: {  	[smem:$0x3FB6] =	sst s10  }
0x32: {  	s10 =	sld [smem:$0x3FB4];
	_ =	sdelay $0x3  }
0x33: {  	p0 =	seq.s32 s10, $0x1;
	s10 =	sld [smem:$0x3FB6];
	_ =	sdelay $0x3  }
0x34: {  	[smem:$0x3FB6] =	sst s10  }
0x35: {  	s10 =	sld [smem:$0x3FB5];
	_ =	sdelay $0x3  }
0x36: {  	p1 =	seq.s32 s10, $0x1;
	s10 =	sld [smem:$0x3FB6];
	_ =	sdelay $0x3  }
0x37: {  	[smem:$0x3FB6] =	sst s10  }
0x38: {  	s10 =	sld [smem:$0x3FB7]  }
0x39: {  	_ = 	snop;
	(pc) =	sbr.ind lr, $3  }
0x3a: {  	_ = 	snop  }
0x3b: {  	_ = 	snop  }
0x3c: {  	p2 =	seq.s32 s10, $0x1;
	s10 =	sld [smem:$0x3FB6]  }
0x3d: {  	_ =	shalt  }
0x3e: {  	_ =	shalt  }
0x3f: {  	_ =	shalt  }
0x40: {  	_ =	shalt  }
0x41: {  	_ =	shalt  }
0x42: {  	_ =	shalt  }
0x43: {  	_ =	shalt  }
0x44: {  	_ =	shalt  }
0x45: {  	_ =	shalt  }
0x46: {  	_ =	shalt  }
0x47: {  	_ =	shalt  }
0x48: {  	_ =	shalt  }
0x49: {  	_ =	shalt  }
0x4a: {  	_ =	shalt  }
0x4b: {  	_ =	shalt  }
0x4c: {  	_ =	shalt  }
0x4d: {  	_ =	shalt  }
0x4e: {  	_ =	shalt  }
0x4f: {  	_ =	shalt  }
0x50: {  	_ =	shalt  }
0x51: {  	_ =	shalt  }
0x52: {  	_ =	shalt  }
0x53: {  	_ =	shalt  }
0x54: {  	_ =	shalt  }
0x55: {  	_ =	shalt  }
0x56: {  	_ =	shalt  }
0x57: {  	_ =	shalt  }
0x58: {  	_ =	shalt  }
0x59: {  	_ =	shalt  }
0x5a: {  	_ =	shalt  }
0x5b: {  	_ =	shalt  }
0x5c: {  	_ =	shalt  }
0x5d: {  	_ =	shalt  }
0x5e: {  	_ =	shalt  }
0x5f: {  	_ =	shalt  }
0x60: {  	_ =	shalt  }
0x61: {  	_ =	shalt  }
0x62: {  	_ =	shalt  }
0x63: {  	_ =	shalt  }
0x64: {  	_ =	shalt  }
0x65: {  	_ =	shalt  }
0x66: {  	_ =	shalt  }
0x67: {  	_ =	shalt  }
0x68: {  	_ =	shalt  }
0x69: {  	_ =	shalt  }
0x6a: {  	_ =	shalt  }
0x6b: {  	_ =	shalt  }
0x6c: {  	_ =	shalt  }
0x6d: {  	_ =	shalt  }
0x6e: {  	_ =	shalt  }
0x6f: {  	_ =	shalt  }
0x70: {  	_ =	shalt  }
0x71: {  	_ =	shalt  }
0x72: {  	_ =	shalt  }
0x73: {  	_ =	shalt  }
0x74: {  	_ =	shalt  }
0x75: {  	_ =	shalt  }
0x76: {  	_ =	shalt  }
0x77: {  	_ =	shalt  }
0x78: {  	_ =	shalt  }
0x79: {  	_ =	shalt  }
0x7a: {  	_ =	shalt  }
0x7b: {  	_ =	shalt  }
0x7c: {  	_ =	shalt  }
0x7d: {  	_ =	shalt  }
0x7e: {  	_ =	shalt  }
0x7f: {  	_ =	shalt  }
0x80: {  	_ =	shalt  }
0x81: {  	_ =	shalt  }
0x82: {  	_ =	shalt  }
0x83: {  	_ =	shalt  }
0x84: {  	_ =	shalt  }
0x85: {  	_ =	shalt  }
0x86: {  	_ =	shalt  }
0x87: {  	_ =	shalt  }
.Lfunc_end0:
.L_simem_size_0:
called_computation_lowered:
.L_overlay_start_0:
0x88: {  	s2 =	sld [smem:$0x3FD9]  }
0x89: {  	s3 =	sld [smem:$0x3FFE];
	_ =	sdelay $0x1  }
0x8a: {  	s1 =	srdreg.scid  }
0x8b: {  	s0 =	sand.u32 $0x1, s1  }
0x8c: {  	s17 =	sshll.u32 s0, $0xA;
	s2 =	sadd.s32 s3, s2  }
0x8d: {  	s2 =	sadd.s32 s2, s17  }
0x8e: {  	[smem:$0x3FC2] =	sst s2  }
0x8f: {  	_ = 	snop  }
0x90: {  	s2 =	sld [smem:$0x3FC9];
	(tm) =	ssettm $0x1  }
0x91: {  	s18 =	sld [smem:$0x3FFB];
	_ =	sdelay $0x3  }
0x92: {  	_ =	strace s18  }
0x93: {  	s3 =	sld [smem:$0x3FFC];
	_ =	sdelay $0x3  }
0x94: {  	_ =	strace s3  }
0x95: {  	s3 =	sld [smem:$0x3FFD];
	_ =	sdelay $0x3  }
0x96: {  	_ =	strace s3  }
0x97: {  	_ =	strace $0x8FFFFFFF  }
0x98: {  	s19 =	sld [smem:$0x3FDB];
	_ =	sdelay $0x1  }
0x99: {  	s4 =	simm.s32 $_scs_section_size  }
0x9a: {  	s5 =	simm.s32 $_size__tile_overlayer_lowered;
	s6 =	simm.s32 $_tile_overlayer_lowered  }
0x9b: {  	s22 =	simm.s32 $0x1BFF;
	s21 =	sshll.u32 s6, $0x1;
	s3 =	sadd.s32 s4, s19  }
0x9c: {  	s7 =	simm.s32 $0x0;
	s20 =	sshll.u32 s5, $0x1;
	s5 =	sadd.s32 s21, s3  }
0x9d: {  	[timem:s7], [sflag:s22] =	dma.local [hbm:s5], s20  }
0x9e: {  	_ =	swait.ge [sflag:s22], s20  }
0x9f: {  	s4 =	ssub.s32 $0x0, s20;
	[sflag:s22] =	ssyncset.done $0x0  }
0xa0: {  	[sflag:s22] =	ssyncadd.s32 s4;
	_ =	sdelay $0x1  }
0xa1: {  	s23 =	simm.s32 $0x1B8B  }
0xa2: {  	_ =	swait.ge [sflag:s23], $0x1  }
0xa3: {  	[sflag:s23] =	ssyncset.done $0x0  }
0xa4: {  	s25 =	simm.s32 $0x1B8E;
	s24 =	sld [smem:$0x3FFE];
	[sflag:s23] =	ssyncadd.s32 $0xFFFFFFFF  }
0xa5: {  	s26 =	simm.s32 $execute0_lowered;
	[smem:$0x3FD2] =	sst s25  }
0xa6: {  	s5 =	sshll.u32 s26, $0x1;
	_ =	strace $0x80000046;
	[dreg:$0x1] =	wrdreg $0xFFFFFFFF  }
0xa7: {  	s28 =	simm.s32 $_size_execute0_lowered;
	s3 =	sadd.s32 s3, s5;
	[dreg:$0x0] =	wrdreg $0x0  }
0xa8: {  	s5 =	sshll.u32 s28, $0x1;
	[dreg:$0x2] =	wrdreg s3  }
0xa9: {  	[dreg:$0x3] =	wrdreg s5  }
0xaa: {  	[dreg:$0x4] =	wrdreg $0xC0  }
0xab: {  	_ =	task [dreg:s7], $0x5FFFF  }
0xac: {  	[dreg:$0x1] =	wrdreg $0xFFFFFFFF  }
0xad: {  	[dreg:$0x0] =	wrdreg $0x60  }
0xae: {  	[dreg:$0x2] =	wrdreg s2  }
0xaf: {  	[dreg:$0x3] =	wrdreg s24  }
0xb0: {  	[dreg:$0x4] =	wrdreg $0x9  }
0xb1: {  	_ =	task.clear_ibuf [dreg:s7], $0x5FFFF;
	_ =	strace $0x90000046  }
0xb2: {  	s29 =	simm.s32 $0x9;
	_ =	strace $0x80000048  }
0xb3: {  	_ =	swait.ge [sflag:s29], $0x1  }
0xb4: {  	[sflag:s29] =	ssyncadd.s32 $0xFFFFFFFF  }
0xb5: {  	_ =	strace $0x90000048  }
0xb6: {  	_ =	sfence  }
0xb7: {  	s30 =	sld [smem:$0x0];
	_ =	sdelay $0x2  }
0xb8: {  	s31 =	sshll.u32 s1, $0xD;
	s1 =	sshrl.u32 s1, $0x2  }
0xb9: {  	s3 =	sand.u32 $0x4000, s31;
	s1 =	sadd.s32 s1, s30  }
0xba: {  	s0 =	sor.u32 s3, s0;
	s1 =	sshll.u32 s1, $0x11  }
0xbb: {  	s0 =	sor.u32 s1, s0  }
0xbc: {  	s0 =	sadd.s32 $0x8F2B, s0  }
0xbd: {  	[sflag:s0] =	ssyncadd.remote.s32 $0x1  }
0xbe: {  	_ =	sfence.sel $0xFFFF  }
0xbf: {  	[dreg:$0x0] =	wrdreg $0xFFFFFFFF;
	(pc) =	sbr.abs _section_cstart, $3  }
0xc0: {  	[dreg:$0x1] =	wrdreg $0xFFFFFFFF  }
0xc1: {  	_ =	task.clear_ibuf [dreg:s7], $0x2FFFF;
	_ =	strace $0x9FFFFFFF  }
0xc2: {  	(tm) =	ssettm $0x7FFFFFFF  }
0xc3: {  	_ =	shalt  }
tec
execute0_lowered:
.L_overlay_start_1:
0x0: {  	(tag) =	ssettag $0x1  }
0x1: {  	s4 =	rddreg [dreg:$0x0]  }
0x2: {  	s5 =	rddreg [dreg:$0x1]  }
0x3: {  	s0 =	simm.s32 $0x0;
	s26 =	stileid.u32;
	s7 =	srdreg.scid  }
0x4: {  	[smem:$0x7FF] =	sst s0;
	s6 =	sshll.u32 s26, $0xE;
	s3 =	sadd.s32 $0xE00, s5  }
0x5: {  	s28 =	sand.u32 $0x1, s7;
	s8 =	sshll.u32 s26, $0xA;
	_ =	strace $0x80000047  }
0x6: {  	s5 =	sadd.s32 s6, s5;
	s9 =	sshll.u32 s28, $0x9;
	s6 =	sshll.u32 s28, $0xD  }
0x7: {  	s7 =	ssub.s32 $0x2, s28;
	s8 =	sor.u32 s9, s8;
	s6 =	sadd.s32 s6, s5  }
0x8: {  	s29 =	sshrl.u32 s7, $0x1;
	s8 =	sshrl.u32 s8, $0x3;
	s6 =	sadd.s32 $0xF43400, s6  }
0x9: {  	s7 =	ssub.s32 s7, s29;
	s1 =	sadd.s32 s4, s8;
	[dreg:$0x3] =	wrdreg s6  }
0xa: {  	s31 =	sshll.u32 s26, $0x6;
	s30 =	smax.u32 s7, $0x1;
	[dreg:$0xa] =	wrdreg s1  }
0xb: {  	s2 =	simm.s32 $0x0;
	s7 =	sor.u32 $0x1C01, s31;
	[dreg:$0xb] =	wrdreg s30  }
.LBB2_1:
0xc: {  	[dreg:$0xc] =	wrdreg s2  }
0xd: {  	s0 =	simm.s32 $0x0;
	s1 =	rddreg [dreg:$0xa];
	s31 =	simm.s32 $0x2  }
0xe: {  	[tilespmem:s0], [sflag:$0x2] =	stream.linear.gather [hbm4b:s1+s0], $0x200, $0x38;
	[tilespmem:$0x200] =	vst v63  }
0xf: {  	_ =	swait.ge [sflag:s31], $0x200  }
0x10: {  	[sflag:s31] =	ssyncset.done $0x0  }
0x11: {  	[sflag:s31] =	ssyncadd.s32 $0xFFFFFE00  }
0x12: {  	v0 =	vld [tilespmem:s0+$0x0];
	_ =	sdelay $0x4  }
0x13: {  	v0 =	vshll.u32 v0, $0x4  }
0x14: {  	(v2sf) =	vpush v0, $0x0  }
0x15: {  	(v2sf) =	vpush v0, $0x1  }
0x16: {  	(v2sf) =	vpush v0, $0xB  }
0x17: {  	s10 =	rddreg [dreg:$0x3];
	(v2sf) =	vpush v0, $0x9  }
0x18: {  	s10 =	sadd.s32 $0x0, s10;
	(v2sf) =	vpush v0, $0xC  }
0x19: {  	s11 =	simm.s32 $0x100;
	s12 =	simm.s32 $0x0;
	s19 =	sadd.s32 $0x10, s10;
	(v2sf) =	vpush v0, $0x4  }
.LBB2_2:
0x1a: {  	_ = 	snop  }
0x1b: {  	(v2sf) =	vpush v0, $0x5  }
0x1c: {  	(v2sf) =	vpush v0, $0x6  }
0x1d: {  	(v2sf) =	vpush v0, $0xD  }
0x1e: {  	(v2sf) =	vpush v0, $0x3  }
0x1f: {  	(v2sf) =	vpush v0, $0x7  }
0x20: {  	s0 =	sadd.s32 $0xC0, s10;
	s8 =	sadd.s32 $0x70, s10;
	s9 =	smov.u32 s11;
	(v2sf) =	vpush v0, $0x8  }
0x21: {  	s20 =	sadd.s32 $0x30, s10;
	s13 =	sadd.s32 $0x40, s10;
	[dreg:$0x5] =	wrdreg s0;
	(v2sf) =	vpush v0, $0xE  }
0x22: {  	s21 =	sadd.s32 $0x20, s10;
	s14 =	sadd.s32 $0xF0, s10;
	[dreg:$0x7] =	wrdreg s8;
	(v2sf) =	vpush v0, $0x2  }
0x23: {  	s15 =	sadd.s32 $0xB0, s10;
	[dreg:$0x4] =	wrdreg s9;
	s25 =	spop (v2sf);
	(v2sf) =	vpush v0, $0xF  }
0x24: {  	s22 =	sadd.s32 $0x80, s10;
	[dreg:$0x9] =	wrdreg s13;
	s24 =	spop (v2sf);
	(v2sf) =	vpush v0, $0xA  }
0x25: {  	s23 =	sadd.s32 $0xA0, s10;
	s28 =	sadd.s32 $0x60, s10;
	[dreg:$0x6] =	wrdreg s14  }
0x26: {  	[dreg:$0x8] =	wrdreg s15;
	s25 =	sand.u32 $0x1FFFFFF0, s25;
	s29 =	spop (v2sf)  }
0x27: {  	s26 =	sand.u32 $0x1FFFFFF0, s24;
	s24 =	sadd.s32 $0x90, s10;
	s30 =	spop (v2sf)  }
0x28: {  	s31 =	sadd.s32 s3, s25;
	s25 =	sadd.s32 $0xE0, s10;
	s17 =	spop (v2sf)  }
0x29: {  	s13 =	sadd.s32 s3, s26;
	s16 =	sand.u32 $0x1FFFFFF0, s29;
	s1 =	spop (v2sf)  }
0x2a: {  	s26 =	sadd.s32 s3, s16;
	s30 =	sand.u32 $0x1FFFFFF0, s30;
	s2 =	spop (v2sf)  }
0x2b: {  	s29 =	sand.u32 $0x1FFFFFF0, s17;
	s30 =	sadd.s32 s3, s30;
	s4 =	spop (v2sf)  }
0x2c: {  	s17 =	sadd.s32 $0xD0, s10;
	s1 =	sand.u32 $0x1FFFFFF0, s1;
	s5 =	spop (v2sf)  }
0x2d: {  	s1 =	sadd.s32 s3, s1;
	s2 =	sand.u32 $0x1FFFFFF0, s2;
	s6 =	spop (v2sf)  }
0x2e: {  	s2 =	sadd.s32 s3, s2;
	s4 =	sand.u32 $0x1FFFFFF0, s4;
	s8 =	spop (v2sf)  }
0x2f: {  	s4 =	sadd.s32 s3, s4;
	s6 =	sand.u32 $0x1FFFFFF0, s6;
	s9 =	spop (v2sf)  }
0x30: {  	s5 =	sand.u32 $0x1FFFFFF0, s5;
	s6 =	sadd.s32 s3, s6;
	s18 =	spop (v2sf)  }
0x31: {  	s8 =	sand.u32 $0x1FFFFFF0, s8;
	s9 =	sand.u32 $0x1FFFFFF0, s9;
	s14 =	spop (v2sf)  }
0x32: {  	s8 =	sadd.s32 s3, s8;
	s14 =	sand.u32 $0x1FFFFFF0, s14;
	s15 =	spop (v2sf)  }
0x33: {  	s0 =	sand.u32 $0x1FFFFFF0, s18;
	s14 =	sadd.s32 s3, s14;
	s16 =	spop (v2sf)  }
0x34: {  	[hbm:s10], [sflag:s7] =	dma.local [hbm:s31], $0x10  }
0x35: {  	[hbm:s19], [sflag:s7] =	dma.local [hbm:s13], $0x10  }
0x36: {  	[hbm:s21], [sflag:s7] =	dma.local [hbm:s14], $0x10  }
0x37: {  	[hbm:s20], [sflag:s7] =	dma.local [hbm:s6], $0x10  }
0x38: {  	s18 =	sadd.s32 $0x50, s10;
	s16 =	sand.u32 $0x1FFFFFF0, s16;
	s6 =	rddreg [dreg:$0x9]  }
0x39: {  	[hbm:s6], [sflag:s7] =	dma.local [hbm:s1], $0x10  }
0x3a: {  	[hbm:s18], [sflag:s7] =	dma.local [hbm:s2], $0x10  }
0x3b: {  	[hbm:s28], [sflag:s7] =	dma.local [hbm:s4], $0x10  }
0x3c: {  	s9 =	sadd.s32 s3, s9;
	s16 =	sadd.s32 s3, s16;
	s28 =	rddreg [dreg:$0x7]  }
0x3d: {  	[hbm:s28], [sflag:s7] =	dma.local [hbm:s8], $0x10  }
0x3e: {  	[hbm:s22], [sflag:s7] =	dma.local [hbm:s9], $0x10  }
0x3f: {  	[hbm:s24], [sflag:s7] =	dma.local [hbm:s30], $0x10  }
0x40: {  	[hbm:s23], [sflag:s7] =	dma.local [hbm:s16], $0x10  }
0x41: {  	s29 =	sadd.s32 s3, s29;
	s5 =	sadd.s32 s3, s5;
	s30 =	rddreg [dreg:$0x8]  }
0x42: {  	[hbm:s30], [sflag:s7] =	dma.local [hbm:s26], $0x10  }
0x43: {  	s0 =	sadd.s32 s3, s0;
	s15 =	sand.u32 $0x1FFFFFF0, s15;
	s1 =	rddreg [dreg:$0x5]  }
0x44: {  	[hbm:s1], [sflag:s7] =	dma.local [hbm:s29], $0x10  }
0x45: {  	[hbm:s17], [sflag:s7] =	dma.local [hbm:s5], $0x10  }
0x46: {  	[hbm:s25], [sflag:s7] =	dma.local [hbm:s0], $0x10  }
0x47: {  	s12 =	sadd.s32 $0x10, s12;
	s15 =	sadd.s32 s3, s15;
	s0 =	rddreg [dreg:$0x6]  }
0x48: {  	[hbm:s0], [sflag:s7] =	dma.local [hbm:s15], $0x10  }
0x49: {  	v0 =	vld [tilespmem:s12+$0x0];
	_ =	sdelay $0x4  }
0x4a: {  	v0 =	vshll.u32 v0, $0x4  }
0x4b: {  	p0 =	sne.s32 s11, $0x1F00;
	(v2sf) =	vpush v0, $0x0  }
.Ltmp0:
0x4c: {  	(v2sf) =	vpush v0, $0x1;
	(pc) =	sbr.rel @p0 .LBB2_2-.Ltmp0, $4  }
0x4d: {  	s0 =	rddreg [dreg:$0x3];
	(v2sf) =	vpush v0, $0xB  }
0x4e: {  	s31 =	rddreg [dreg:$0x4];
	(v2sf) =	vpush v0, $0x9  }
0x4f: {  	s10 =	sadd.s32 s31, s0;
	(v2sf) =	vpush v0, $0xC  }
0x50: {  	s11 =	sadd.s32 $0x100, s11;
	s19 =	sadd.s32 $0x10, s10;
	(v2sf) =	vpush v0, $0x4  }
0x51: {  	(v2sf) =	vpush v0, $0x5  }
0x52: {  	(v2sf) =	vpush v0, $0x6  }
0x53: {  	(v2sf) =	vpush v0, $0xD  }
0x54: {  	(v2sf) =	vpush v0, $0x3  }
0x55: {  	(v2sf) =	vpush v0, $0x7  }
0x56: {  	(v2sf) =	vpush v0, $0x8  }
0x57: {  	(v2sf) =	vpush v0, $0xE  }
0x58: {  	(v2sf) =	vpush v0, $0x2  }
0x59: {  	(v2sf) =	vpush v0, $0xF  }
0x5a: {  	s0 =	spop (v2sf);
	(v2sf) =	vpush v0, $0xA  }
0x5b: {  	s1 =	spop (v2sf)  }
0x5c: {  	s2 =	spop (v2sf)  }
0x5d: {  	s4 =	spop (v2sf)  }
0x5e: {  	s5 =	spop (v2sf)  }
0x5f: {  	s6 =	spop (v2sf)  }
0x60: {  	s8 =	spop (v2sf)  }
0x61: {  	s9 =	spop (v2sf)  }
0x62: {  	s11 =	spop (v2sf)  }
0x63: {  	s12 =	spop (v2sf)  }
0x64: {  	s13 =	spop (v2sf)  }
0x65: {  	s14 =	spop (v2sf)  }
0x66: {  	s15 =	spop (v2sf)  }
0x67: {  	s16 =	spop (v2sf)  }
0x68: {  	s0 =	sand.u32 $0x1FFFFFF0, s0;
	s17 =	spop (v2sf)  }
0x69: {  	s0 =	sadd.s32 s3, s0;
	s20 =	sand.u32 $0x1FFFFFF0, s1;
	s18 =	spop (v2sf)  }
0x6a: {  	[hbm:s10], [sflag:s7] =	dma.local [hbm:s0], $0x10  }
0x6b: {  	s21 =	sand.u32 $0x1FFFFFF0, s16;
	s0 =	sadd.s32 s3, s20  }
0x6c: {  	[hbm:s19], [sflag:s7] =	dma.local [hbm:s0], $0x10  }
0x6d: {  	s22 =	sadd.s32 $0x20, s10;
	s23 =	sand.u32 $0x1FFFFFF0, s12;
	s0 =	sadd.s32 s3, s21  }
0x6e: {  	[hbm:s22], [sflag:s7] =	dma.local [hbm:s0], $0x10  }
0x6f: {  	s24 =	sadd.s32 $0x30, s10;
	s25 =	sand.u32 $0x1FFFFFF0, s6;
	s0 =	sadd.s32 s3, s23  }
0x70: {  	[hbm:s24], [sflag:s7] =	dma.local [hbm:s0], $0x10  }
0x71: {  	s26 =	sadd.s32 $0x40, s10;
	s28 =	sand.u32 $0x1FFFFFF0, s8;
	s0 =	sadd.s32 s3, s25  }
0x72: {  	[hbm:s26], [sflag:s7] =	dma.local [hbm:s0], $0x10  }
0x73: {  	s29 =	sadd.s32 $0x50, s10;
	s30 =	sand.u32 $0x1FFFFFF0, s9;
	s0 =	sadd.s32 s3, s28  }
0x74: {  	[hbm:s29], [sflag:s7] =	dma.local [hbm:s0], $0x10  }
0x75: {  	s31 =	sadd.s32 $0x60, s10;
	s1 =	sand.u32 $0x1FFFFFF0, s13;
	s0 =	sadd.s32 s3, s30  }
0x76: {  	[hbm:s31], [sflag:s7] =	dma.local [hbm:s0], $0x10  }
0x77: {  	s6 =	sadd.s32 $0x70, s10;
	s8 =	sand.u32 $0x1FFFFFF0, s14;
	s0 =	sadd.s32 s3, s1  }
0x78: {  	[hbm:s6], [sflag:s7] =	dma.local [hbm:s0], $0x10  }
0x79: {  	s9 =	sadd.s32 $0x80, s10;
	s12 =	sand.u32 $0x1FFFFFF0, s4;
	s0 =	sadd.s32 s3, s8  }
0x7a: {  	[hbm:s9], [sflag:s7] =	dma.local [hbm:s0], $0x10  }
0x7b: {  	s13 =	sadd.s32 $0x90, s10;
	s14 =	sand.u32 $0x1FFFFFF0, s18;
	s0 =	sadd.s32 s3, s12  }
0x7c: {  	[hbm:s13], [sflag:s7] =	dma.local [hbm:s0], $0x10  }
0x7d: {  	s16 =	sadd.s32 $0xA0, s10;
	s18 =	sand.u32 $0x1FFFFFF0, s2;
	s0 =	sadd.s32 s3, s14  }
0x7e: {  	[hbm:s16], [sflag:s7] =	dma.local [hbm:s0], $0x10  }
0x7f: {  	s20 =	sand.u32 $0x1FFFFFF0, s5;
	s19 =	sadd.s32 $0xB0, s10;
	s0 =	sadd.s32 s3, s18  }
0x80: {  	[hbm:s19], [sflag:s7] =	dma.local [hbm:s0], $0x10  }
0x81: {  	s21 =	sadd.s32 $0xC0, s10;
	s22 =	sand.u32 $0x1FFFFFF0, s11;
	s0 =	sadd.s32 s3, s20  }
0x82: {  	[hbm:s21], [sflag:s7] =	dma.local [hbm:s0], $0x10  }
0x83: {  	s23 =	sadd.s32 $0xD0, s10;
	s24 =	sand.u32 $0x1FFFFFF0, s15;
	s0 =	sadd.s32 s3, s22  }
0x84: {  	[hbm:s23], [sflag:s7] =	dma.local [hbm:s0], $0x10  }
0x85: {  	s25 =	sadd.s32 $0xE0, s10;
	s26 =	sand.u32 $0x1FFFFFF0, s17;
	s0 =	sadd.s32 s3, s24  }
0x86: {  	[hbm:s25], [sflag:s7] =	dma.local [hbm:s0], $0x10  }
0x87: {  	s28 =	sadd.s32 $0xF0, s10;
	s29 =	simm.s32 $0x1;
	s0 =	sadd.s32 s3, s26  }
0x88: {  	[hbm:s28], [sflag:s7] =	dma.local [hbm:s0], $0x10  }
0x89: {  	_ =	swait.ge [sflag:s29], $0x2000  }
0x8a: {  	s30 =	rddreg [dreg:$0xc]  }
0x8b: {  	s31 =	rddreg [dreg:$0xb];
	s2 =	sadd.s32 $0x1, s30  }
0x8c: {  	p0 =	sne.s32 s2, s31  }
.Ltmp1:
0x8d: {  	_ = 	snop;
	(pc) =	sbr.rel @p0 .LBB2_1-.Ltmp1, $3  }
0x8e: {  	_ =	sdelay $0x1  }
0x8f: {  	[sflag:s29] =	ssyncset.done $0x0  }
0x90: {  	[sflag:s29] =	ssyncadd.s32 $0xFFFFE000  }
0x91: {  	_ =	sfence.sel $0x180000  }
0x92: {  	[bflag:$0x0] =	sbarrier.arrive $0xFFFF  }
0x93: {  	_ =	strace $0x90000047  }
0x94: {  	s0 =	stileid.u32;
	[bflag:$0x2] =	sbarrier.arrive $0xFFFF  }
0x95: {  	p0 =	sne.s32 s0, $0x0;
	s0 =	rddreg [dreg:$0x2]  }
0x96: {  	s0 =	sadd.s32 @!p0 $0x100000, s0  }
0x97: {  	[sflag:s0] =	ssyncadd.tile.s32 @!p0 $0x1;
	_ =	shalt  }
.Lfunc_end2:
_tile_overlayer_lowered:
.L_overlay_start_2:
0x98: {  	(tag) =	ssettag $0x2  }
0x99: {  	s0 =	rddreg [dreg:$0x0];
	s2 =	stileid.u32  }
0x9a: {  	s1 =	rddreg [dreg:$0x1];
	p0 =	sne.s32 s2, $0x0  }
0x9b: {  	s3 =	rddreg [dreg:$0x2];
	[bflag:$0x3] =	sbarrier.arrive $0xFFFF;
	s2 =	simm.s32 @!p0 $0x1C02  }
0x9c: {  	[timem:s3], [sflag:s2] =	dma.local @!p0 [hbm:s0], s1  }
0x9d: {  	s0 =	simm.s32 @!p0 $0x2  }
0x9e: {  	_ =	swait.ge @!p0 [sflag:s0], s1  }
0x9f: {  	s1 =	ssub.s32 @!p0 $0x0, s1;
	[sflag:s0] =	ssyncset.done @!p0 $0x0  }
0xa0: {  	[sflag:s0] =	ssyncadd.s32 @!p0 s1  }
0xa1: {  	[bflag:$0x3] =	sbarrier.arrive $0xFFFF  }
0xa2: {  	_ =	shalt  }

</sc_bundles>
